<compile_context>
chip_gen: v7x
topology: tpu7x:2x2x1
jax: 0.10.2.dev20260603
libtpu: 0.0.44.dev20260713+nightly
codegen_flags: <defaults>
</compile_context>

<pallas_src>
import jax
import jax.numpy as jnp
from jax.experimental import pallas as pl
from jax.experimental.pallas import tpu as pltpu

_NBINS = 38
_IBLK = 64
_JCHUNK = 128
_FLATC = _JCHUNK * _NBINS


def _onehot_kernel(at_ref, bt_ref, aux_ref, w_ref, kflat_ref, out_ref):
    n = bt_ref.shape[2]
    d2 = None
    for c in range(3):
        a = at_ref[0, 0, :, c : c + 1]
        b = bt_ref[0, c : c + 1, :]
        diff = a - b
        d2 = diff * diff if d2 is None else d2 + diff * diff
    d = jnp.sqrt(d2)
    start = aux_ref[1:2, 0:1]
    inv_step = aux_ref[1:2, 1:2]
    bidx = jnp.clip(jnp.floor((d - start) * inv_step), 0.0, _NBINS - 1.0)
    bidx16 = bidx.astype(jnp.bfloat16)
    kflat = kflat_ref[0:1, :]
    for c in range(n // _JCHUNK):
        bc = bidx16[:, c * _JCHUNK : (c + 1) * _JCHUNK]
        m = jnp.dot(bc, w_ref[:, :], preferred_element_type=jnp.float32)
        oh = jnp.where(m == kflat, 1.0, 0.0)
        out_ref[0, :, c * _FLATC : (c + 1) * _FLATC] = oh.astype(jnp.bfloat16)


def kernel(CB_coords, v_bins):
    nbatch, n, _ = CB_coords.shape
    nblk = n // _IBLK
    coords_p = jnp.pad(CB_coords, ((0, 0), (0, 0), (0, 5)))
    coords_rows = coords_p.reshape(nbatch, nblk, _IBLK, 8)
    coords_t = jnp.pad(
        jnp.transpose(CB_coords, (0, 2, 1)), ((0, 0), (0, 5), (0, 0))
    )
    aux = jnp.zeros((8, 128), jnp.float32)
    aux = aux.at[1, 0].set(v_bins[0])
    aux = aux.at[1, 1].set(1.0 / (v_bins[1] - v_bins[0]))
    p = jnp.arange(_FLATC, dtype=jnp.int32)
    w = (p[None, :] // _NBINS == jnp.arange(_JCHUNK, dtype=jnp.int32)[:, None])
    w = w.astype(jnp.bfloat16)
    kflat = (p % _NBINS).astype(jnp.float32)[None, :]

    grid = (nbatch, nblk)
    out = pl.pallas_call(
        _onehot_kernel,
        grid=grid,
        in_specs=[
            pl.BlockSpec((1, 1, _IBLK, 8), lambda b, i: (b, i, 0, 0)),
            pl.BlockSpec((1, 8, n), lambda b, i: (b, 0, 0)),
            pl.BlockSpec((8, 128), lambda b, i: (0, 0)),
            pl.BlockSpec((_JCHUNK, _FLATC), lambda b, i: (0, 0)),
            pl.BlockSpec((1, _FLATC), lambda b, i: (0, 0)),
        ],
        out_specs=pl.BlockSpec((1, _IBLK, n * _NBINS), lambda b, i: (b, i, 0)),
        out_shape=jax.ShapeDtypeStruct((nbatch, n, n * _NBINS), jnp.bfloat16),
    )(coords_rows, coords_t, aux, w, kflat)
    return out.astype(jnp.float32).reshape(nbatch, n, n, _NBINS)

# --- scband reference (transcript-rebuilt; emitter-appended) ---
"""Pipeline reference for scband-cbdistogram-embedding-62723702390896 (READ-ONLY COPY).

The authoritative reference and input builder live on the scoring server;
editing this copy changes nothing except your own understanding.
"""

import jax, jax.numpy as jnp
import numpy as np

NUM_BINS = 38
MIN_DIST = 3.25
MAX_DIST = 50.75


def setup_inputs(seed: int = 0) -> dict:
    key = jax.random.key(seed)
    CB_coords = jax.random.normal(key, (2, 1024, 3), dtype=jnp.float32)
    v_bins = jnp.linspace(MIN_DIST, MAX_DIST, NUM_BINS + 1).astype(jnp.float32)
    return {"CB_coords": CB_coords, "v_bins": v_bins}


def reference(CB_coords, v_bins):
    # torch.cdist(CB_coords, CB_coords, p=2)
    diff = CB_coords[..., :, None, :] - CB_coords[..., None, :, :]
    dist_matrix = jnp.sqrt(jnp.sum(diff * diff, axis=-1))
    # torch.bucketize(data, v_bins) with right=False == searchsorted side='left'
    bin_indices = jnp.searchsorted(v_bins, dist_matrix, side="left") - 1
    bin_indices = jnp.clip(bin_indices, 0, v_bins.shape[0] - 2)
    # scatter_(dim=-1, index=bin_indices, value=1.0) on zeros == one-hot
    p = jax.nn.one_hot(bin_indices, v_bins.shape[0] - 1, dtype=dist_matrix.dtype)
    return p

if __name__ == "__main__":
    import jax
    _d = setup_inputs()
    print(jax.jit(kernel)(*tuple(_d.values())))

</pallas_src>

<mosaic_0001>
module attributes {stable_mosaic.version = 14 : i64} {
  func.func @_onehot_kernel(%arg0: i32, %arg1: i32, %arg2: memref<1x1x64x8xf32, #tpu.memory_space<vmem>>, %arg3: memref<1x8x1024xf32, #tpu.memory_space<vmem>>, %arg4: memref<8x128xf32, #tpu.memory_space<vmem>>, %arg5: memref<128x4864xbf16, #tpu.memory_space<vmem>>, %arg6: memref<1x4864xf32, #tpu.memory_space<vmem>>, %arg7: memref<1x64x38912xbf16, #tpu.memory_space<vmem>>) attributes {dimension_semantics = [#tpu.dimension_semantics<arbitrary>, #tpu.dimension_semantics<arbitrary>], iteration_bounds = array<i64: 2, 16>, scalar_prefetch = 0 : i64, scratch_operands = 0 : i64, tpu.core_type = #tpu.core_type<tc>, window_params = [{transform_indices = @transform_0, window_bounds = array<i64: 1, 1, 64, 8>}, {transform_indices = @transform_1, window_bounds = array<i64: 1, 8, 1024>}, {pipeline_mode = #tpu.pipeline_mode<synchronous>, transform_indices = @transform_2, window_bounds = array<i64: 8, 128>}, {pipeline_mode = #tpu.pipeline_mode<synchronous>, transform_indices = @transform_3, window_bounds = array<i64: 128, 4864>}, {pipeline_mode = #tpu.pipeline_mode<synchronous>, transform_indices = @transform_4, window_bounds = array<i64: 1, 4864>}, {transform_indices = @transform_5, window_bounds = array<i64: 1, 64, 38912>}]} {
    %get3A = arith.constant 0 : index
    %get3A_0 = arith.constant 0 : index
    %get3A_1 = arith.constant 0 : index
    %get3A_2 = arith.constant 0 : index
    %get3A_3 = vector.load %arg2[%get3A, %get3A_0, %get3A_1, %get3A_2] : memref<1x1x64x8xf32, #tpu.memory_space<vmem>>, vector<1x1x64x1xf32>
    %get3A_4 = vector.shape_cast %get3A_3 : vector<1x1x64x1xf32> to vector<64x1xf32>
    %get3A_5 = arith.constant 0 : index
    %get3A_6 = arith.constant 0 : index
    %get3A_7 = arith.constant 0 : index
    %get3A_8 = vector.load %arg3[%get3A_5, %get3A_6, %get3A_7] : memref<1x8x1024xf32, #tpu.memory_space<vmem>>, vector<1x1x1024xf32>
    %get3A_9 = vector.shape_cast %get3A_8 : vector<1x1x1024xf32> to vector<1x1024xf32>
    %sub3A = vector.broadcast %get3A_4 : vector<64x1xf32> to vector<64x1024xf32>
    %sub3A_10 = vector.broadcast %get3A_9 : vector<1x1024xf32> to vector<64x1024xf32>
    %sub3A_11 = arith.subf %sub3A, %sub3A_10 : vector<64x1024xf32>
    %mul3A = arith.mulf %sub3A_11, %sub3A_11 : vector<64x1024xf32>
    %get3A_12 = arith.constant 0 : index
    %get3A_13 = arith.constant 0 : index
    %get3A_14 = arith.constant 0 : index
    %get3A_15 = arith.constant 1 : index
    %get3A_16 = vector.load %arg2[%get3A_12, %get3A_13, %get3A_14, %get3A_15] : memref<1x1x64x8xf32, #tpu.memory_space<vmem>>, vector<1x1x64x1xf32>
    %get3A_17 = vector.shape_cast %get3A_16 : vector<1x1x64x1xf32> to vector<64x1xf32>
    %get3A_18 = arith.constant 0 : index
    %get3A_19 = arith.constant 1 : index
    %get3A_20 = arith.constant 0 : index
    %get3A_21 = vector.load %arg3[%get3A_18, %get3A_19, %get3A_20] : memref<1x8x1024xf32, #tpu.memory_space<vmem>>, vector<1x1x1024xf32>
    %get3A_22 = vector.shape_cast %get3A_21 : vector<1x1x1024xf32> to vector<1x1024xf32>
    %sub3A_23 = vector.broadcast %get3A_17 : vector<64x1xf32> to vector<64x1024xf32>
    %sub3A_24 = vector.broadcast %get3A_22 : vector<1x1024xf32> to vector<64x1024xf32>
    %sub3A_25 = arith.subf %sub3A_23, %sub3A_24 : vector<64x1024xf32>
    %mul3A_26 = arith.mulf %sub3A_25, %sub3A_25 : vector<64x1024xf32>
    %add3A = arith.addf %mul3A, %mul3A_26 : vector<64x1024xf32>
    %get3A_27 = arith.constant 0 : index
    %get3A_28 = arith.constant 0 : index
    %get3A_29 = arith.constant 0 : index
    %get3A_30 = arith.constant 2 : index
    %get3A_31 = vector.load %arg2[%get3A_27, %get3A_28, %get3A_29, %get3A_30] : memref<1x1x64x8xf32, #tpu.memory_space<vmem>>, vector<1x1x64x1xf32>
    %get3A_32 = vector.shape_cast %get3A_31 : vector<1x1x64x1xf32> to vector<64x1xf32>
    %get3A_33 = arith.constant 0 : index
    %get3A_34 = arith.constant 2 : index
    %get3A_35 = arith.constant 0 : index
    %get3A_36 = vector.load %arg3[%get3A_33, %get3A_34, %get3A_35] : memref<1x8x1024xf32, #tpu.memory_space<vmem>>, vector<1x1x1024xf32>
    %get3A_37 = vector.shape_cast %get3A_36 : vector<1x1x1024xf32> to vector<1x1024xf32>
    %sub3A_38 = vector.broadcast %get3A_32 : vector<64x1xf32> to vector<64x1024xf32>
    %sub3A_39 = vector.broadcast %get3A_37 : vector<1x1024xf32> to vector<64x1024xf32>
    %sub3A_40 = arith.subf %sub3A_38, %sub3A_39 : vector<64x1024xf32>
    %mul3A_41 = arith.mulf %sub3A_40, %sub3A_40 : vector<64x1024xf32>
    %add3A_42 = arith.addf %add3A, %mul3A_41 : vector<64x1024xf32>
    %sqrt3A = math.sqrt %add3A_42 : vector<64x1024xf32>
    %get3A_43 = arith.constant 1 : index
    %get3A_44 = arith.constant 0 : index
    %get3A_45 = vector.load %arg4[%get3A_43, %get3A_44] : memref<8x128xf32, #tpu.memory_space<vmem>>, vector<1x1xf32>
    %get3A_46 = arith.constant 1 : index
    %get3A_47 = arith.constant 1 : index
    %get3A_48 = vector.load %arg4[%get3A_46, %get3A_47] : memref<8x128xf32, #tpu.memory_space<vmem>>, vector<1x1xf32>
    %sub3A_49 = vector.broadcast %get3A_45 : vector<1x1xf32> to vector<64x1024xf32>
    %sub3A_50 = arith.subf %sqrt3A, %sub3A_49 : vector<64x1024xf32>
    %mul3A_51 = vector.broadcast %get3A_48 : vector<1x1xf32> to vector<64x1024xf32>
    %mul3A_52 = arith.mulf %sub3A_50, %mul3A_51 : vector<64x1024xf32>
    %floor3A = math.floor %mul3A_52 : vector<64x1024xf32>
    %jit3A = arith.constant 0.000000e+00 : f32
    %jit3A_53 = arith.constant 3.700000e+01 : f32
    %max3A = vector.broadcast %jit3A : f32 to vector<64x1024xf32>
    %max3A_54 = arith.maximumf %max3A, %floor3A : vector<64x1024xf32>
    %min3A = vector.broadcast %jit3A_53 : f32 to vector<64x1024xf32>
    %min3A_55 = arith.minimumf %min3A, %max3A_54 : vector<64x1024xf32>
    %convert_element_type3A = arith.truncf %min3A_55 : vector<64x1024xf32> to vector<64x1024xbf16>
    %get3A_56 = arith.constant 0 : index
    %get3A_57 = arith.constant 0 : index
    %get3A_58 = vector.load %arg6[%get3A_56, %get3A_57] : memref<1x4864xf32, #tpu.memory_space<vmem>>, vector<1x4864xf32>
    %slice3A = vector.extract_strided_slice %convert_element_type3A {offsets = [0, 0], sizes = [64, 128], strides = [1, 1]} : vector<64x1024xbf16> to vector<64x128xbf16>
    %get3A_59 = arith.constant 0 : index
    %get3A_60 = arith.constant 0 : index
    %get3A_61 = vector.load %arg5[%get3A_59, %get3A_60] : memref<128x4864xbf16, #tpu.memory_space<vmem>>, vector<128x4864xbf16>
    %dot_general3A = arith.constant dense<0.000000e+00> : vector<64x4864xf32>
    %dot_general3A_62 = tpu.matmul %slice3A, %get3A_61, %dot_general3A {dimension_numbers = #tpu.dot_dimension_numbers<[1], [0], [0], [1], [0, 0, 1, 1], [], []>, transpose_lhs_hint = false} : vector<64x128xbf16>, vector<128x4864xbf16>, vector<64x4864xf32> -> vector<64x4864xf32>
    %eq3A = vector.broadcast %get3A_58 : vector<1x4864xf32> to vector<64x4864xf32>
    %eq3A_63 = arith.cmpf oeq, %dot_general3A_62, %eq3A : vector<64x4864xf32>
    %jit3A_64 = arith.constant 1.000000e+00 : f32
    %jit3A_65 = arith.constant 0.000000e+00 : f32
    %broadcast_in_dim3A = vector.broadcast %jit3A_64 : f32 to vector<64x4864xf32>
    %broadcast_in_dim3A_66 = vector.broadcast %jit3A_65 : f32 to vector<64x4864xf32>
    %select_n3A = arith.select %eq3A_63, %broadcast_in_dim3A, %broadcast_in_dim3A_66 : vector<64x4864xi1>, vector<64x4864xf32>
    %convert_element_type3A_67 = arith.truncf %select_n3A : vector<64x4864xf32> to vector<64x4864xbf16>
    %swap3A = arith.constant 0 : index
    %swap3A_68 = arith.constant 0 : index
    %swap3A_69 = arith.constant 0 : index
    %swap3A_70 = vector.load %arg7[%swap3A, %swap3A_68, %swap3A_69] : memref<1x64x38912xbf16, #tpu.memory_space<vmem>>, vector<1x64x4864xbf16>
    %swap3A_71 = vector.shape_cast %swap3A_70 : vector<1x64x4864xbf16> to vector<64x4864xbf16>
    %swap3A_72 = vector.shape_cast %convert_element_type3A_67 : vector<64x4864xbf16> to vector<1x64x4864xbf16>
    tpu.vector_store %arg7[%swap3A, %swap3A_68, %swap3A_69], %swap3A_72 {strides = array<i32>} : memref<1x64x38912xbf16, #tpu.memory_space<vmem>>, vector<1x64x4864xbf16>,
    %slice3A_73 = vector.extract_strided_slice %convert_element_type3A {offsets = [0, 128], sizes = [64, 128], strides = [1, 1]} : vector<64x1024xbf16> to vector<64x128xbf16>
    %get3A_74 = arith.constant 0 : index
    %get3A_75 = arith.constant 0 : index
    %get3A_76 = vector.load %arg5[%get3A_74, %get3A_75] : memref<128x4864xbf16, #tpu.memory_space<vmem>>, vector<128x4864xbf16>
    %dot_general3A_77 = arith.constant dense<0.000000e+00> : vector<64x4864xf32>
    %dot_general3A_78 = tpu.matmul %slice3A_73, %get3A_76, %dot_general3A_77 {dimension_numbers = #tpu.dot_dimension_numbers<[1], [0], [0], [1], [0, 0, 1, 1], [], []>, transpose_lhs_hint = false} : vector<64x128xbf16>, vector<128x4864xbf16>, vector<64x4864xf32> -> vector<64x4864xf32>
    %eq3A_79 = vector.broadcast %get3A_58 : vector<1x4864xf32> to vector<64x4864xf32>
    %eq3A_80 = arith.cmpf oeq, %dot_general3A_78, %eq3A_79 : vector<64x4864xf32>
    %jit3A_81 = arith.constant 1.000000e+00 : f32
    %jit3A_82 = arith.constant 0.000000e+00 : f32
    %broadcast_in_dim3A_83 = vector.broadcast %jit3A_81 : f32 to vector<64x4864xf32>
    %broadcast_in_dim3A_84 = vector.broadcast %jit3A_82 : f32 to vector<64x4864xf32>
    %select_n3A_85 = arith.select %eq3A_80, %broadcast_in_dim3A_83, %broadcast_in_dim3A_84 : vector<64x4864xi1>, vector<64x4864xf32>
    %convert_element_type3A_86 = arith.truncf %select_n3A_85 : vector<64x4864xf32> to vector<64x4864xbf16>
    %swap3A_87 = arith.constant 0 : index
    %swap3A_88 = arith.constant 0 : index
    %swap3A_89 = arith.constant 4864 : index
    %swap3A_90 = vector.load %arg7[%swap3A_87, %swap3A_88, %swap3A_89] : memref<1x64x38912xbf16, #tpu.memory_space<vmem>>, vector<1x64x4864xbf16>
    %swap3A_91 = vector.shape_cast %swap3A_90 : vector<1x64x4864xbf16> to vector<64x4864xbf16>
    %swap3A_92 = vector.shape_cast %convert_element_type3A_86 : vector<64x4864xbf16> to vector<1x64x4864xbf16>
    tpu.vector_store %arg7[%swap3A_87, %swap3A_88, %swap3A_89], %swap3A_92 {strides = array<i32>} : memref<1x64x38912xbf16, #tpu.memory_space<vmem>>, vector<1x64x4864xbf16>,
    %slice3A_93 = vector.extract_strided_slice %convert_element_type3A {offsets = [0, 256], sizes = [64, 128], strides = [1, 1]} : vector<64x1024xbf16> to vector<64x128xbf16>
    %get3A_94 = arith.constant 0 : index
    %get3A_95 = arith.constant 0 : index
    %get3A_96 = vector.load %arg5[%get3A_94, %get3A_95] : memref<128x4864xbf16, #tpu.memory_space<vmem>>, vector<128x4864xbf16>
    %dot_general3A_97 = arith.constant dense<0.000000e+00> : vector<64x4864xf32>
    %dot_general3A_98 = tpu.matmul %slice3A_93, %get3A_96, %dot_general3A_97 {dimension_numbers = #tpu.dot_dimension_numbers<[1], [0], [0], [1], [0, 0, 1, 1], [], []>, transpose_lhs_hint = false} : vector<64x128xbf16>, vector<128x4864xbf16>, vector<64x4864xf32> -> vector<64x4864xf32>
    %eq3A_99 = vector.broadcast %get3A_58 : vector<1x4864xf32> to vector<64x4864xf32>
    %eq3A_100 = arith.cmpf oeq, %dot_general3A_98, %eq3A_99 : vector<64x4864xf32>
    %jit3A_101 = arith.constant 1.000000e+00 : f32
    %jit3A_102 = arith.constant 0.000000e+00 : f32
    %broadcast_in_dim3A_103 = vector.broadcast %jit3A_101 : f32 to vector<64x4864xf32>
    %broadcast_in_dim3A_104 = vector.broadcast %jit3A_102 : f32 to vector<64x4864xf32>
    %select_n3A_105 = arith.select %eq3A_100, %broadcast_in_dim3A_103, %broadcast_in_dim3A_104 : vector<64x4864xi1>, vector<64x4864xf32>
    %convert_element_type3A_106 = arith.truncf %select_n3A_105 : vector<64x4864xf32> to vector<64x4864xbf16>
    %swap3A_107 = arith.constant 0 : index
    %swap3A_108 = arith.constant 0 : index
    %swap3A_109 = arith.constant 9728 : index
    %swap3A_110 = vector.load %arg7[%swap3A_107, %swap3A_108, %swap3A_109] : memref<1x64x38912xbf16, #tpu.memory_space<vmem>>, vector<1x64x4864xbf16>
    %swap3A_111 = vector.shape_cast %swap3A_110 : vector<1x64x4864xbf16> to vector<64x4864xbf16>
    %swap3A_112 = vector.shape_cast %convert_element_type3A_106 : vector<64x4864xbf16> to vector<1x64x4864xbf16>
    tpu.vector_store %arg7[%swap3A_107, %swap3A_108, %swap3A_109], %swap3A_112 {strides = array<i32>} : memref<1x64x38912xbf16, #tpu.memory_space<vmem>>, vector<1x64x4864xbf16>,
    %slice3A_113 = vector.extract_strided_slice %convert_element_type3A {offsets = [0, 384], sizes = [64, 128], strides = [1, 1]} : vector<64x1024xbf16> to vector<64x128xbf16>
    %get3A_114 = arith.constant 0 : index
    %get3A_115 = arith.constant 0 : index
    %get3A_116 = vector.load %arg5[%get3A_114, %get3A_115] : memref<128x4864xbf16, #tpu.memory_space<vmem>>, vector<128x4864xbf16>
    %dot_general3A_117 = arith.constant dense<0.000000e+00> : vector<64x4864xf32>
    %dot_general3A_118 = tpu.matmul %slice3A_113, %get3A_116, %dot_general3A_117 {dimension_numbers = #tpu.dot_dimension_numbers<[1], [0], [0], [1], [0, 0, 1, 1], [], []>, transpose_lhs_hint = false} : vector<64x128xbf16>, vector<128x4864xbf16>, vector<64x4864xf32> -> vector<64x4864xf32>
    %eq3A_119 = vector.broadcast %get3A_58 : vector<1x4864xf32> to vector<64x4864xf32>
    %eq3A_120 = arith.cmpf oeq, %dot_general3A_118, %eq3A_119 : vector<64x4864xf32>
    %jit3A_121 = arith.constant 1.000000e+00 : f32
    %jit3A_122 = arith.constant 0.000000e+00 : f32
    %broadcast_in_dim3A_123 = vector.broadcast %jit3A_121 : f32 to vector<64x4864xf32>
    %broadcast_in_dim3A_124 = vector.broadcast %jit3A_122 : f32 to vector<64x4864xf32>
    %select_n3A_125 = arith.select %eq3A_120, %broadcast_in_dim3A_123, %broadcast_in_dim3A_124 : vector<64x4864xi1>, vector<64x4864xf32>
    %convert_element_type3A_126 = arith.truncf %select_n3A_125 : vector<64x4864xf32> to vector<64x4864xbf16>
    %swap3A_127 = arith.constant 0 : index
    %swap3A_128 = arith.constant 0 : index
    %swap3A_129 = arith.constant 14592 : index
    %swap3A_130 = vector.load %arg7[%swap3A_127, %swap3A_128, %swap3A_129] : memref<1x64x38912xbf16, #tpu.memory_space<vmem>>, vector<1x64x4864xbf16>
    %swap3A_131 = vector.shape_cast %swap3A_130 : vector<1x64x4864xbf16> to vector<64x4864xbf16>
    %swap3A_132 = vector.shape_cast %convert_element_type3A_126 : vector<64x4864xbf16> to vector<1x64x4864xbf16>
    tpu.vector_store %arg7[%swap3A_127, %swap3A_128, %swap3A_129], %swap3A_132 {strides = array<i32>} : memref<1x64x38912xbf16, #tpu.memory_space<vmem>>, vector<1x64x4864xbf16>,
    %slice3A_133 = vector.extract_strided_slice %convert_element_type3A {offsets = [0, 512], sizes = [64, 128], strides = [1, 1]} : vector<64x1024xbf16> to vector<64x128xbf16>
    %get3A_134 = arith.constant 0 : index
    %get3A_135 = arith.constant 0 : index
    %get3A_136 = vector.load %arg5[%get3A_134, %get3A_135] : memref<128x4864xbf16, #tpu.memory_space<vmem>>, vector<128x4864xbf16>
    %dot_general3A_137 = arith.constant dense<0.000000e+00> : vector<64x4864xf32>
    %dot_general3A_138 = tpu.matmul %slice3A_133, %get3A_136, %dot_general3A_137 {dimension_numbers = #tpu.dot_dimension_numbers<[1], [0], [0], [1], [0, 0, 1, 1], [], []>, transpose_lhs_hint = false} : vector<64x128xbf16>, vector<128x4864xbf16>, vector<64x4864xf32> -> vector<64x4864xf32>
    %eq3A_139 = vector.broadcast %get3A_58 : vector<1x4864xf32> to vector<64x4864xf32>
    %eq3A_140 = arith.cmpf oeq, %dot_general3A_138, %eq3A_139 : vector<64x4864xf32>
    %jit3A_141 = arith.constant 1.000000e+00 : f32
    %jit3A_142 = arith.constant 0.000000e+00 : f32
    %broadcast_in_dim3A_143 = vector.broadcast %jit3A_141 : f32 to vector<64x4864xf32>
    %broadcast_in_dim3A_144 = vector.broadcast %jit3A_142 : f32 to vector<64x4864xf32>
    %select_n3A_145 = arith.select %eq3A_140, %broadcast_in_dim3A_143, %broadcast_in_dim3A_144 : vector<64x4864xi1>, vector<64x4864xf32>
    %convert_element_type3A_146 = arith.truncf %select_n3A_145 : vector<64x4864xf32> to vector<64x4864xbf16>
    %swap3A_147 = arith.constant 0 : index
    %swap3A_148 = arith.constant 0 : index
    %swap3A_149 = arith.constant 19456 : index
    %swap3A_150 = vector.load %arg7[%swap3A_147, %swap3A_148, %swap3A_149] : memref<1x64x38912xbf16, #tpu.memory_space<vmem>>, vector<1x64x4864xbf16>
    %swap3A_151 = vector.shape_cast %swap3A_150 : vector<1x64x4864xbf16> to vector<64x4864xbf16>
    %swap3A_152 = vector.shape_cast %convert_element_type3A_146 : vector<64x4864xbf16> to vector<1x64x4864xbf16>
    tpu.vector_store %arg7[%swap3A_147, %swap3A_148, %swap3A_149], %swap3A_152 {strides = array<i32>} : memref<1x64x38912xbf16, #tpu.memory_space<vmem>>, vector<1x64x4864xbf16>,
    %slice3A_153 = vector.extract_strided_slice %convert_element_type3A {offsets = [0, 640], sizes = [64, 128], strides = [1, 1]} : vector<64x1024xbf16> to vector<64x128xbf16>
    %get3A_154 = arith.constant 0 : index
    %get3A_155 = arith.constant 0 : index
    %get3A_156 = vector.load %arg5[%get3A_154, %get3A_155] : memref<128x4864xbf16, #tpu.memory_space<vmem>>, vector<128x4864xbf16>
    %dot_general3A_157 = arith.constant dense<0.000000e+00> : vector<64x4864xf32>
    %dot_general3A_158 = tpu.matmul %slice3A_153, %get3A_156, %dot_general3A_157 {dimension_numbers = #tpu.dot_dimension_numbers<[1], [0], [0], [1], [0, 0, 1, 1], [], []>, transpose_lhs_hint = false} : vector<64x128xbf16>, vector<128x4864xbf16>, vector<64x4864xf32> -> vector<64x4864xf32>
    %eq3A_159 = vector.broadcast %get3A_58 : vector<1x4864xf32> to vector<64x4864xf32>
    %eq3A_160 = arith.cmpf oeq, %dot_general3A_158, %eq3A_159 : vector<64x4864xf32>
    %jit3A_161 = arith.constant 1.000000e+00 : f32
    %jit3A_162 = arith.constant 0.000000e+00 : f32
    %broadcast_in_dim3A_163 = vector.broadcast %jit3A_161 : f32 to vector<64x4864xf32>
    %broadcast_in_dim3A_164 = vector.broadcast %jit3A_162 : f32 to vector<64x4864xf32>
    %select_n3A_165 = arith.select %eq3A_160, %broadcast_in_dim3A_163, %broadcast_in_dim3A_164 : vector<64x4864xi1>, vector<64x4864xf32>
    %convert_element_type3A_166 = arith.truncf %select_n3A_165 : vector<64x4864xf32> to vector<64x4864xbf16>
    %swap3A_167 = arith.constant 0 : index
    %swap3A_168 = arith.constant 0 : index
    %swap3A_169 = arith.constant 24320 : index
    %swap3A_170 = vector.load %arg7[%swap3A_167, %swap3A_168, %swap3A_169] : memref<1x64x38912xbf16, #tpu.memory_space<vmem>>, vector<1x64x4864xbf16>
    %swap3A_171 = vector.shape_cast %swap3A_170 : vector<1x64x4864xbf16> to vector<64x4864xbf16>
    %swap3A_172 = vector.shape_cast %convert_element_type3A_166 : vector<64x4864xbf16> to vector<1x64x4864xbf16>
    tpu.vector_store %arg7[%swap3A_167, %swap3A_168, %swap3A_169], %swap3A_172 {strides = array<i32>} : memref<1x64x38912xbf16, #tpu.memory_space<vmem>>, vector<1x64x4864xbf16>,
    %slice3A_173 = vector.extract_strided_slice %convert_element_type3A {offsets = [0, 768], sizes = [64, 128], strides = [1, 1]} : vector<64x1024xbf16> to vector<64x128xbf16>
    %get3A_174 = arith.constant 0 : index
    %get3A_175 = arith.constant 0 : index
    %get3A_176 = vector.load %arg5[%get3A_174, %get3A_175] : memref<128x4864xbf16, #tpu.memory_space<vmem>>, vector<128x4864xbf16>
    %dot_general3A_177 = arith.constant dense<0.000000e+00> : vector<64x4864xf32>
    %dot_general3A_178 = tpu.matmul %slice3A_173, %get3A_176, %dot_general3A_177 {dimension_numbers = #tpu.dot_dimension_numbers<[1], [0], [0], [1], [0, 0, 1, 1], [], []>, transpose_lhs_hint = false} : vector<64x128xbf16>, vector<128x4864xbf16>, vector<64x4864xf32> -> vector<64x4864xf32>
    %eq3A_179 = vector.broadcast %get3A_58 : vector<1x4864xf32> to vector<64x4864xf32>
    %eq3A_180 = arith.cmpf oeq, %dot_general3A_178, %eq3A_179 : vector<64x4864xf32>
    %jit3A_181 = arith.constant 1.000000e+00 : f32
    %jit3A_182 = arith.constant 0.000000e+00 : f32
    %broadcast_in_dim3A_183 = vector.broadcast %jit3A_181 : f32 to vector<64x4864xf32>
    %broadcast_in_dim3A_184 = vector.broadcast %jit3A_182 : f32 to vector<64x4864xf32>
    %select_n3A_185 = arith.select %eq3A_180, %broadcast_in_dim3A_183, %broadcast_in_dim3A_184 : vector<64x4864xi1>, vector<64x4864xf32>
    %convert_element_type3A_186 = arith.truncf %select_n3A_185 : vector<64x4864xf32> to vector<64x4864xbf16>
    %swap3A_187 = arith.constant 0 : index
    %swap3A_188 = arith.constant 0 : index
    %swap3A_189 = arith.constant 29184 : index
    %swap3A_190 = vector.load %arg7[%swap3A_187, %swap3A_188, %swap3A_189] : memref<1x64x38912xbf16, #tpu.memory_space<vmem>>, vector<1x64x4864xbf16>
    %swap3A_191 = vector.shape_cast %swap3A_190 : vector<1x64x4864xbf16> to vector<64x4864xbf16>
    %swap3A_192 = vector.shape_cast %convert_element_type3A_186 : vector<64x4864xbf16> to vector<1x64x4864xbf16>
    tpu.vector_store %arg7[%swap3A_187, %swap3A_188, %swap3A_189], %swap3A_192 {strides = array<i32>} : memref<1x64x38912xbf16, #tpu.memory_space<vmem>>, vector<1x64x4864xbf16>,
    %slice3A_193 = vector.extract_strided_slice %convert_element_type3A {offsets = [0, 896], sizes = [64, 128], strides = [1, 1]} : vector<64x1024xbf16> to vector<64x128xbf16>
    %get3A_194 = arith.constant 0 : index
    %get3A_195 = arith.constant 0 : index
    %get3A_196 = vector.load %arg5[%get3A_194, %get3A_195] : memref<128x4864xbf16, #tpu.memory_space<vmem>>, vector<128x4864xbf16>
    %dot_general3A_197 = arith.constant dense<0.000000e+00> : vector<64x4864xf32>
    %dot_general3A_198 = tpu.matmul %slice3A_193, %get3A_196, %dot_general3A_197 {dimension_numbers = #tpu.dot_dimension_numbers<[1], [0], [0], [1], [0, 0, 1, 1], [], []>, transpose_lhs_hint = false} : vector<64x128xbf16>, vector<128x4864xbf16>, vector<64x4864xf32> -> vector<64x4864xf32>
    %eq3A_199 = vector.broadcast %get3A_58 : vector<1x4864xf32> to vector<64x4864xf32>
    %eq3A_200 = arith.cmpf oeq, %dot_general3A_198, %eq3A_199 : vector<64x4864xf32>
    %jit3A_201 = arith.constant 1.000000e+00 : f32
    %jit3A_202 = arith.constant 0.000000e+00 : f32
    %broadcast_in_dim3A_203 = vector.broadcast %jit3A_201 : f32 to vector<64x4864xf32>
    %broadcast_in_dim3A_204 = vector.broadcast %jit3A_202 : f32 to vector<64x4864xf32>
    %select_n3A_205 = arith.select %eq3A_200, %broadcast_in_dim3A_203, %broadcast_in_dim3A_204 : vector<64x4864xi1>, vector<64x4864xf32>
    %convert_element_type3A_206 = arith.truncf %select_n3A_205 : vector<64x4864xf32> to vector<64x4864xbf16>
    %swap3A_207 = arith.constant 0 : index
    %swap3A_208 = arith.constant 0 : index
    %swap3A_209 = arith.constant 34048 : index
    %swap3A_210 = vector.load %arg7[%swap3A_207, %swap3A_208, %swap3A_209] : memref<1x64x38912xbf16, #tpu.memory_space<vmem>>, vector<1x64x4864xbf16>
    %swap3A_211 = vector.shape_cast %swap3A_210 : vector<1x64x4864xbf16> to vector<64x4864xbf16>
    %swap3A_212 = vector.shape_cast %convert_element_type3A_206 : vector<64x4864xbf16> to vector<1x64x4864xbf16>
    tpu.vector_store %arg7[%swap3A_207, %swap3A_208, %swap3A_209], %swap3A_212 {strides = array<i32>} : memref<1x64x38912xbf16, #tpu.memory_space<vmem>>, vector<1x64x4864xbf16>,
    return
  }
  func.func @transform_0(%arg0: i32, %arg1: i32) -> (i32, i32, i32, i32) {
    %c0_i32 = arith.constant 0 : i32
    %c0_i32_0 = arith.constant 0 : i32
    %c0_i32_1 = arith.constant 0 : i32
    return %arg0, %arg1, %c0_i32, %c0_i32_0 : i32, i32, i32, i32
  }
  func.func @transform_1(%arg0: i32, %arg1: i32) -> (i32, i32, i32) {
    %c0_i32 = arith.constant 0 : i32
    %c0_i32_0 = arith.constant 0 : i32
    %c0_i32_1 = arith.constant 0 : i32
    return %arg0, %c0_i32, %c0_i32_0 : i32, i32, i32
  }
  func.func @transform_2(%arg0: i32, %arg1: i32) -> (i32, i32) {
    %c0_i32 = arith.constant 0 : i32
    %c0_i32_0 = arith.constant 0 : i32
    %c0_i32_1 = arith.constant 0 : i32
    return %c0_i32, %c0_i32_0 : i32, i32
  }
  func.func @transform_3(%arg0: i32, %arg1: i32) -> (i32, i32) {
    %c0_i32 = arith.constant 0 : i32
    %c0_i32_0 = arith.constant 0 : i32
    %c0_i32_1 = arith.constant 0 : i32
    return %c0_i32, %c0_i32_0 : i32, i32
  }
  func.func @transform_4(%arg0: i32, %arg1: i32) -> (i32, i32) {
    %c0_i32 = arith.constant 0 : i32
    %c0_i32_0 = arith.constant 0 : i32
    %c0_i32_1 = arith.constant 0 : i32
    return %c0_i32, %c0_i32_0 : i32, i32
  }
  func.func @transform_5(%arg0: i32, %arg1: i32) -> (i32, i32, i32) {
    %c0_i32 = arith.constant 0 : i32
    %c0_i32_0 = arith.constant 0 : i32
    return %arg0, %arg1, %c0_i32 : i32, i32, i32
  }
}

</mosaic_0001>

<sc_bundles>
// kernel: sparse-core-data-format-call.cloned.1.call-start
scs
called_computation_lowered:
.L_overlay_start_0:
0x0: {  	s2 =	sld [smem:$0x3FD9]  }
0x1: {  	s3 =	sld [smem:$0x3FFE];
	_ =	sdelay $0x1  }
0x2: {  	s1 =	srdreg.scid  }
0x3: {  	s0 =	sand.u32 $0x1, s1  }
0x4: {  	s18 =	sshll.u32 s0, $0xA;
	s2 =	sadd.s32 s3, s2  }
0x5: {  	s2 =	sadd.s32 s2, s18  }
0x6: {  	[smem:$0x3FC6] =	sst s2  }
0x7: {  	_ = 	snop  }
0x8: {  	s2 =	sld [smem:$0x3FD0];
	(tm) =	ssettm $0x1  }
0x9: {  	s19 =	sld [smem:$0x3FFB];
	_ =	sdelay $0x3  }
0xa: {  	_ =	strace s19  }
0xb: {  	s3 =	sld [smem:$0x3FFC];
	_ =	sdelay $0x3  }
0xc: {  	_ =	strace s3  }
0xd: {  	s3 =	sld [smem:$0x3FFD];
	_ =	sdelay $0x3  }
0xe: {  	_ =	strace s3  }
0xf: {  	_ =	strace $0x8FFFFFFF  }
0x10: {  	s20 =	sld [smem:$0x3FDB];
	_ =	sdelay $0x1  }
0x11: {  	s4 =	simm.s32 $_scs_section_size  }
0x12: {  	s5 =	simm.s32 $_size__tile_overlayer_lowered;
	s6 =	simm.s32 $_tile_overlayer_lowered  }
0x13: {  	s23 =	simm.s32 $0x1BFF;
	s22 =	sshll.u32 s6, $0x1;
	s3 =	sadd.s32 s4, s20  }
0x14: {  	s7 =	simm.s32 $0x0;
	s21 =	sshll.u32 s5, $0x1;
	s5 =	sadd.s32 s22, s3  }
0x15: {  	[timem:s7], [sflag:s23] =	dma.local [hbm:s5], s21  }
0x16: {  	_ =	swait.ge [sflag:s23], s21  }
0x17: {  	s4 =	ssub.s32 $0x0, s21;
	[sflag:s23] =	ssyncset.done $0x0  }
0x18: {  	[sflag:s23] =	ssyncadd.s32 s4;
	_ =	sdelay $0x1  }
0x19: {  	s24 =	simm.s32 $0x1B8B  }
0x1a: {  	_ =	swait.ge [sflag:s24], $0x1  }
0x1b: {  	[sflag:s24] =	ssyncset.done $0x0  }
0x1c: {  	s26 =	simm.s32 $0x1B8E;
	s25 =	sld [smem:$0x3FFE];
	[sflag:s24] =	ssyncadd.s32 $0xFFFFFFFF  }
0x1d: {  	s27 =	simm.s32 $execute0_lowered;
	[smem:$0x3FD2] =	sst s26  }
0x1e: {  	s5 =	sshll.u32 s27, $0x1;
	_ =	strace $0x80000046;
	[dreg:$0x1] =	wrdreg $0xFFFFFFFF  }
0x1f: {  	s28 =	simm.s32 $_size_execute0_lowered;
	s3 =	sadd.s32 s3, s5;
	[dreg:$0x0] =	wrdreg $0x0  }
0x20: {  	s5 =	sshll.u32 s28, $0x1;
	[dreg:$0x2] =	wrdreg s3  }
0x21: {  	[dreg:$0x3] =	wrdreg s5  }
0x22: {  	[dreg:$0x4] =	wrdreg $0xC0  }
0x23: {  	_ =	task [dreg:s7], $0x5FFFF  }
0x24: {  	[dreg:$0x1] =	wrdreg $0xFFFFFFFF  }
0x25: {  	[dreg:$0x0] =	wrdreg $0x60  }
0x26: {  	[dreg:$0x2] =	wrdreg s25  }
0x27: {  	[dreg:$0x3] =	wrdreg s2  }
0x28: {  	[dreg:$0x4] =	wrdreg $0x9  }
0x29: {  	_ =	task.clear_ibuf [dreg:s7], $0x5FFFF;
	_ =	strace $0x90000046  }
0x2a: {  	s29 =	simm.s32 $0x9;
	_ =	strace $0x80000048  }
0x2b: {  	_ =	swait.ge [sflag:s29], $0x1  }
0x2c: {  	[sflag:s29] =	ssyncadd.s32 $0xFFFFFFFF  }
0x2d: {  	_ =	strace $0x90000048  }
0x2e: {  	_ =	sfence  }
0x2f: {  	s30 =	sld [smem:$0x0];
	_ =	sdelay $0x2  }
0x30: {  	s31 =	sshll.u32 s1, $0xD;
	s1 =	sshrl.u32 s1, $0x2  }
0x31: {  	s3 =	sand.u32 $0x4000, s31;
	s1 =	sadd.s32 s1, s30  }
0x32: {  	s0 =	sor.u32 s3, s0;
	s1 =	sshll.u32 s1, $0x11  }
0x33: {  	s0 =	sor.u32 s1, s0  }
0x34: {  	s0 =	sadd.s32 $0x8F2B, s0  }
0x35: {  	[sflag:s0] =	ssyncadd.remote.s32 $0x1  }
0x36: {  	_ =	sfence.sel $0xFFFF  }
0x37: {  	[dreg:$0x0] =	wrdreg $0xFFFFFFFF;
	(pc) =	sbr.abs _section_cstart, $3  }
0x38: {  	[dreg:$0x1] =	wrdreg $0xFFFFFFFF  }
0x39: {  	_ =	task.clear_ibuf [dreg:s7], $0x2FFFF;
	_ =	strace $0x9FFFFFFF  }
0x3a: {  	(tm) =	ssettm $0x7FFFFFFF  }
0x3b: {  	_ =	shalt  }
tec
execute0_lowered:
.L_overlay_start_1:
0x0: {  	(tag) =	ssettag $0x1  }
0x1: {  	s0 =	stileid.u32  }
0x2: {  	s8 =	rddreg [dreg:$0x0];
	s3 =	srdreg.scid  }
0x3: {  	s31 =	simm.s32 $0x2;
	s18 =	simm.s32 $0x0;
	s2 =	sshll.u32 s0, $0x6  }
0x4: {  	s10 =	simm.s32 $0x2000;
	s1 =	sand.u32 $0x1, s0;
	s2 =	sand.u32 $0x380, s2  }
0x5: {  	s3 =	sshll.u32 s3, $0x7;
	s4 =	ssub.s32 $0x2, s1;
	s5 =	ssub.s32 $0x400, s2  }
0x6: {  	s3 =	sand.u32 $0x80, s3;
	s6 =	sshrl.u32 s4, $0x1;
	s7 =	sand.u32 $0x380, s5  }
0x7: {  	s4 =	sand.u32 $0x1, s4;
	p0 =	sne.s32 s7, $0x0;
	s7 =	simm.s32 $0x1  }
0x8: {  	s9 =	ssub.s32 $0x400, s3;
	s5 =	sshrl.u32 s5, $0xA;
	s7 =	simm.s32 @!p0 $0x0  }
0x9: {  	s4 =	sadd.s32 s4, s6;
	s28 =	sshrl.u32 s9, $0x7;
	s5 =	sadd.s32 s7, s5  }
0xa: {  	s29 =	sshrl.u32 s9, $0x8;
	s6 =	sand.u32 $0x1, s28;
	s30 =	smul.u32 s5, s4  }
0xb: {  	s17 =	simm.s32 $0x0;
	s16 =	simm.s32 $0x0;
	s6 =	sadd.s32 s29, s6  }
0xc: {  	s19 =	simm.s32 $0x0;
	s12 =	simm.s32 $0x0;
	s7 =	smul.u32 s6, s30  }
.Ltmp0:
0xd: {  	s15 =	simm.s32 $0x0;
	s5 =	rddreg [dreg:$0x1];
	(pc) =	sbr.rel .LBB1_1-.Ltmp0, $4  }
0xe: {  	s8 =	sadd.s32 $0x600, s8;
	s14 =	smov.u32 s1;
	s4 =	rddreg [dreg:$0x2]  }
0xf: {  	_ =	strace $0x80000047;
	s6 =	simm.s32 $0x1;
	s7 =	smul.u32 $0x26, s7  }
0x10: {  	s11 =	smov.u32 s3;
	s13 =	smov.u32 s2;
	[sflag:s6] =	ssyncpa.u1 $0x0  }
0x11: {  	p0 =	por $0x0, $0x0;
	[sflag:s31] =	ssyncpa.u1 $0x0;
	s9 =	sor.u32 $0x1, s7  }
.LBB1_4:
0x12: {  	v5 =	vld [tilespmem:s22+$0xFFFFFFD0];
	[tilespmem:s23+$0x2040 ss:$0x81] =	vst.msk $0xffff, v1  }
0x13: {  	v58 =	vld [tilespmem:s22+$0xFFFFFFE0];
	[tilespmem:s23+$0x2850 ss:$0x81] =	vst.msk $0xffff, v2  }
0x14: {  	s24 =	sshra.s32 s24, $0x2;
	v59 =	vld [tilespmem:s22+$0xFFFFFFF0];
	[tilespmem:s23+$0x3060 ss:$0x81] =	vst.msk $0xffff, v3  }
0x15: {  	v60 =	vld [tilespmem:s22+$0x0];
	[tilespmem:s23+$0x0 ss:$0x81] =	vst.msk $0xffff, v0;
	s21 =	sadd.s32 s24, s21  }
0x16: {  	v61 =	vld [tilespmem:s22+$0x10];
	s26 =	sand.u32 $0x78, s16;
	[tilespmem:s21+$0x3870 ss:$0x81] =	vst.msk $0xffff, v4  }
0x17: {  	s27 =	sshll.u32 s18, $0xA;
	v62 =	vld [tilespmem:s22+$0x20];
	s25 =	sshll.u32 s16, $0x3;
	s28 =	sshll.u32 s18, $0x7;
	[tilespmem:s21+$0x810 ss:$0x81] =	vst.msk $0xffff, v5  }
0x18: {  	v63 =	vld [tilespmem:s22+$0xFFFFFFC0];
	s19 =	smul.u32 $0x4C0000, s19;
	s17 =	sshll.u32 s17, $0x11;
	s30 =	sand.u32 $0x7, s16;
	[tilespmem:s21+$0x1020 ss:$0x81] =	vst.msk $0xffff, v58  }
0x19: {  	s24 =	sand.u32 $0xFE000, s27;
	s29 =	sand.u32 $0xFFC00, s25;
	s18 =	sand.u32 $0x380, s28;
	[tilespmem:s21+$0x1830 ss:$0x81] =	vst.msk $0xffff, v59  }
0x1a: {  	s22 =	sadd.s32 s29, s24;
	s18 =	sor.u32 s26, s18;
	s19 =	sadd.s32 s5, s19;
	[tilespmem:s21+$0x2040 ss:$0x81] =	vst.msk $0xffff, v60  }
0x1b: {  	s22 =	sshrl.u32 s22, $0x3;
	s18 =	sshrl.u32 s18, $0x3;
	s17 =	sadd.s32 s17, s19;
	[tilespmem:s21+$0x2850 ss:$0x81] =	vst.msk $0xffff, v61  }
0x1c: {  	s16 =	sshll.u32 s30, $0x12;
	s31 =	sand.u32 $0x1FF80, s22;
	s17 =	sadd.s32 s18, s17;
	[tilespmem:s21+$0x3060 ss:$0x81] =	vst.msk $0xffff, v62  }
0x1d: {  	s16 =	sor.u32 $0x400, s16;
	[tilespmem:s21+$0x0 ss:$0x81] =	vst.msk $0xffff, v63;
	s17 =	sadd.s32 s31, s17  }
0x1e: {  	[hbm4b:s17+s16] =	stream.strided.scatter [tilespmem:s20], [sflag:$0x2], $0x4000, s10, s16, $0x20;
	[tilespmem:$0x10100] =	vst v63  }
.LBB1_5:
0x1f: {  	s20 =	sadd.s32 $0x100, s11  }
0x20: {  	s16 =	simm.s32 $0x1;
	p2 =	sgt.s32 s20, $0x3FF  }
0x21: {  	s16 =	simm.s32 @!p2 $0x0  }
0x22: {  	s21 =	sadd.s32 s16, s12  }
0x23: {  	s22 =	smov.u32 s13;
	s16 =	sadd.s32 $0x400, s13;
	p3 =	sgt.s32 s21, $0x25  }
0x24: {  	s22 =	smov.u32 @p3 s16  }
0x25: {  	s23 =	smov.u32 s14;
	s16 =	sadd.s32 $0x2, s14;
	p4 =	sgt.s32 s22, $0x3FF  }
0x26: {  	p1 =	slt.u32 s15, $0x2;
	s23 =	smov.u32 @p4 s16  }
0x27: {  	s18 =	smov.u32 s11;
	s20 =	smov.u32 @p2 s3;
	p2 =	sgt.s32 s23, $0x1  }
0x28: {  	s24 =	simm.s32 @!p1 $0x2;
	s23 =	smov.u32 @p2 s1;
	p2 =	sne.s32 s15, s9  }
.Ltmp1:
0x29: {  	s17 =	smov.u32 s12;
	_ =	swait.ge @!p1 [sflag:s24], $0x4000;
	(pc) =	sbr.rel @!p2 .LBB1_6-.Ltmp1, $4  }
0x2a: {  	s19 =	smov.u32 s14;
	p0 =	por !p0, !p0;
	[sflag:s24] =	ssyncset.done @!p1 $0x0  }
0x2b: {  	s11 =	smov.u32 s20;
	[sflag:s24] =	ssyncadd.s32 @!p1 $0xFFFFC000;
	s21 =	simm.s32 @p3 $0x0  }
0x2c: {  	s12 =	smov.u32 s21;
	s22 =	smov.u32 @p4 s2;
	s16 =	smov.u32 s13  }
0x2d: {  	s13 =	smov.u32 s22;
	s15 =	sadd.s32 $0x1, s15;
	s14 =	smov.u32 s23  }
.LBB1_1:
0x2e: {  	p1 =	sge.u32 s15, s7  }
0x2f: {  	s20 =	sshll.u32 @!p1 s12, $0xA  }
0x30: {  	s21 =	sshll.u32 @!p1 s11, $0x3;
	s20 =	sand.u32 @!p1 $0xFFFFE000, s20  }
0x31: {  	s20 =	sadd.s32 @!p1 s20, s21  }
0x32: {  	s20 =	sshrl.u32 @!p1 s20, $0xA  }
0x33: {  	s31 =	sadd.s32 $0xFFFFFFFF, s15;
	s21 =	smulhi.u32 @!p1 $0x6666667, s20  }
0x34: {  	s22 =	sxor.u32 @!p1 $0xFFFFFFFF, s15;
	s23 =	sshll.u32 @!p1 s12, $0x7;
	s25 =	smul.u32 @!p1 $0x500000, s14  }
0x35: {  	s24 =	sand.u32 @!p1 $0x78, s11;
	s23 =	sand.u32 @!p1 $0x380, s23;
	s21 =	smul.u32 @!p1 $0x28, s21  }
0x36: {  	s22 =	sshll.u32 @!p1 s22, $0xE;
	s23 =	sor.u32 @!p1 s24, s23;
	s24 =	smul.u32 @!p1 $0x1400, s13  }
0x37: {  	s20 =	ssub.s32 @!p1 s20, s21;
	s21 =	sand.u32 @!p1 $0x4000, s22;
	s22 =	sadd.s32 @!p1 s8, s25  }
0x38: {  	s23 =	sshrl.u32 @!p1 s23, $0x3;
	s22 =	sadd.s32 @!p1 s24, s22;
	s24 =	sand.u32 @!p1 $0x7, s11  }
0x39: {  	s20 =	sshll.u32 @!p1 s20, $0x7;
	s22 =	sadd.s32 @!p1 s23, s22;
	s23 =	sshll.u32 @!p1 s24, $0x12  }
0x3a: {  	s20 =	sadd.s32 @!p1 s20, s22;
	s22 =	sor.u32 @!p1 $0x80, s23;
	s23 =	simm.s32 @!p1 $0xA000  }
0x3b: {  	[tilespmem:s21], [sflag:$0x1] =	stream.strided.gather @!p1 [hbm4b:s20+s22], $0x4000, s23, s22, $0x38;
	[tilespmem:$0x10100] =	vst v63  }
0x3c: {  	p1 =	sge.u32 s31, s7  }
.Ltmp2:
0x3d: {  	_ = 	snop;
	(pc) =	sbr.rel @p1 .LBB1_5-.Ltmp2, $1  }
0x3e: {  	_ =	sdelay $0x3  }
0x3f: {  	s20 =	simm.s32 $0x1  }
0x40: {  	_ =	swait.ge [sflag:s6], $0x4000;
	s20 =	simm.s32 @!p0 $0x0  }
0x41: {  	[sflag:s6] =	ssyncset.done $0x0;
	s21 =	sshll.u32 s20, $0xE  }
0x42: {  	[sflag:s6] =	ssyncadd.s32 $0xFFFFC000;
	s22 =	sor.u32 $0x40, s21  }
0x43: {  	s20 =	smul.u32 $0x10200, s20;
	v0 =	vld [tilespmem:s22+$0x30]  }
0x44: {  	v3 =	vld [tilespmem:s22+$0xFFFFFFD0]  }
0x45: {  	s20 =	sshrl.u32 s20, $0x2;
	v4 =	vld [tilespmem:s22+$0xFFFFFFE0]  }
0x46: {  	v5 =	vld [tilespmem:s22+$0xFFFFFFF0];
	s21 =	sor.u32 $0x8000, s20  }
0x47: {  	s31 =	sand.u32 $0x1, s15;
	v1 =	vld [tilespmem:s22+$0x0];
	s23 =	sadd.s32 $0x0, s21  }
0x48: {  	v2 =	vld [tilespmem:s22+$0x10];
	s20 =	smul.u32 $0x10200, s31;
	[tilespmem:s23+$0x3870 ss:$0x81] =	vst.msk $0xffff, v0  }
0x49: {  	[tilespmem:s23+$0x810 ss:$0x81] =	vst.msk $0xffff, v3;
	v3 =	vld [tilespmem:s22+$0x20]  }
0x4a: {  	s20 =	sshrl.u32 s20, $0x2;
	v0 =	vld [tilespmem:s22+$0xFFFFFFC0];
	[tilespmem:s23+$0x1020 ss:$0x81] =	vst.msk $0xffff, v4;
	s22 =	sadd.s32 $0x80, s22  }
0x4b: {  	s24 =	simm.s32 $0x4;
	s25 =	simm.s32 $0x8;
	s20 =	sor.u32 $0x8000, s20;
	[tilespmem:s23+$0x1830 ss:$0x81] =	vst.msk $0xffff, v5;
	v4 =	vld [tilespmem:s22+$0x30]  }
.LBB1_3:
0x4c: {  	p1 =	sne.s32 s25, $0x1FC;
	v5 =	vld [tilespmem:s22+$0xFFFFFFD0];
	[tilespmem:s23+$0x2040 ss:$0x81] =	vst.msk $0xffff, v1  }
0x4d: {  	v6 =	vld [tilespmem:s22+$0xFFFFFFE0];
	[tilespmem:s23+$0x2850 ss:$0x81] =	vst.msk $0xffff, v2  }
0x4e: {  	s26 =	sshra.s32 s24, $0x2;
	s24 =	smov.u32 s25;
	v7 =	vld [tilespmem:s22+$0xFFFFFFF0];
	[tilespmem:s23+$0x3060 ss:$0x81] =	vst.msk $0xffff, v3  }
.Ltmp3:
0x4f: {  	v1 =	vld [tilespmem:s22+$0x0];
	[tilespmem:s23+$0x0 ss:$0x81] =	vst.msk $0xffff, v0;
	s23 =	sadd.s32 s26, s21;
	(pc) =	sbr.rel @p1 .LBB1_3-.Ltmp3, $4  }
0x50: {  	v2 =	vld [tilespmem:s22+$0x10];
	[tilespmem:s23+$0x3870 ss:$0x81] =	vst.msk $0xffff, v4  }
0x51: {  	[tilespmem:s23+$0x810 ss:$0x81] =	vst.msk $0xffff, v5;
	v3 =	vld [tilespmem:s22+$0x20]  }
0x52: {  	v0 =	vld [tilespmem:s22+$0xFFFFFFC0];
	[tilespmem:s23+$0x1020 ss:$0x81] =	vst.msk $0xffff, v6;
	s22 =	sadd.s32 $0x80, s22  }
0x53: {  	s25 =	sadd.s32 $0x4, s25;
	v4 =	vld [tilespmem:s22+$0x30];
	[tilespmem:s23+$0x1830 ss:$0x81] =	vst.msk $0xffff, v7  }
.Ltmp4:
0x54: {  	_ = 	snop;
	(pc) =	sbr.rel .LBB1_4-.Ltmp4, $1  }
0x55: {  	_ =	sdelay $0x3  }
.LBB1_6:
0x56: {  	_ =	sfence.sel $0x180000  }
0x57: {  	s1 =	simm.s32 $0x1;
	[bflag:$0x0] =	sbarrier.arrive $0xFFFF  }
0x58: {  	s31 =	simm.s32 $0x2;
	[sflag:s1] =	ssyncpa.u1 $0x1  }
0x59: {  	[sflag:s31] =	ssyncpa.u1 $0x1  }
0x5a: {  	p0 =	sne.s32 s0, $0x0;
	_ =	strace $0x90000047  }
0x5b: {  	s0 =	sadd.s32 @!p0 $0x100000, s4;
	[bflag:$0x2] =	sbarrier.arrive $0xFFFF  }
0x5c: {  	[sflag:s0] =	ssyncadd.tile.s32 @!p0 $0x1;
	_ =	shalt  }
.Lfunc_end1:
_tile_overlayer_lowered:
.L_overlay_start_2:
0x5d: {  	(tag) =	ssettag $0x2  }
0x5e: {  	s0 =	rddreg [dreg:$0x0];
	s2 =	stileid.u32  }
0x5f: {  	s1 =	rddreg [dreg:$0x1];
	p0 =	sne.s32 s2, $0x0  }
0x60: {  	s3 =	rddreg [dreg:$0x2];
	[bflag:$0x3] =	sbarrier.arrive $0xFFFF;
	s2 =	simm.s32 @!p0 $0x1C01  }
0x61: {  	[timem:s3], [sflag:s2] =	dma.local @!p0 [hbm:s0], s1  }
0x62: {  	s0 =	simm.s32 @!p0 $0x1  }
0x63: {  	_ =	swait.ge @!p0 [sflag:s0], s1  }
0x64: {  	s1 =	ssub.s32 @!p0 $0x0, s1;
	[sflag:s0] =	ssyncset.done @!p0 $0x0  }
0x65: {  	[sflag:s0] =	ssyncadd.s32 @!p0 s1  }
0x66: {  	[bflag:$0x3] =	sbarrier.arrive $0xFFFF  }
0x67: {  	_ =	shalt  }

</sc_bundles>
